<compile_context>
chip_gen: v7x
topology: tpu7x:2x2x1
jax: 0.10.2.dev20260603
libtpu: 0.0.44.dev20260713+nightly
codegen_flags: <defaults>
</compile_context>

<pallas_src>
import functools

import jax
import jax.numpy as jnp
from jax import lax
from jax.experimental import pallas as pl
from jax.experimental.pallas import tpu as pltpu
from jax.experimental.pallas import tpu_sc as plsc

_NB = 5120
_SEG_PER_W = 320
_PTR_CHUNK = 328


_SUB = 512


def _mlp_cumsum_block(x_ref, h_ref, w_ref, b_ref, out_ref, acc_ref, *,
                      steps, nb, f, d):
    i = pl.program_id(0)

    @pl.when(i == 0)
    def _init():
        acc_ref[...] = jnp.zeros_like(acc_ref)

    acc = acc_ref[0:1, :]

    @pl.when(i < steps)
    def _body():
        w = w_ref[...]
        z = (jnp.dot(x_ref[...], w[:f], preferred_element_type=jnp.float32)
             + jnp.dot(h_ref[...], w[f:], preferred_element_type=jnp.float32)
             + b_ref[...])
        z = jnp.where(z >= 0, z, 0.2 * z)
        ltri = (lax.broadcasted_iota(jnp.int32, (_SUB, _SUB), 0)
                > lax.broadcasted_iota(jnp.int32, (_SUB, _SUB), 1)
                ).astype(jnp.float32)
        ones_row = jnp.ones((1, _SUB), jnp.float32)
        offs = acc
        outs = []
        for s0 in range(0, nb, _SUB):
            zs = z[s0:s0 + _SUB]
            ex = jnp.dot(ltri, zs, preferred_element_type=jnp.float32)
            outs.append(offs + ex)
            offs = offs + jnp.dot(ones_row, zs,
                                  preferred_element_type=jnp.float32)
        out_ref[:, 0:d] = jnp.concatenate(outs, axis=0)
        acc_ref[...] = jnp.broadcast_to(offs, acc_ref.shape)

    @pl.when(i == steps)
    def _tail():
        out_ref[:, 0:d] = jnp.broadcast_to(acc, (nb, d))


def _mlp_cumsum(x, h_node, w, b2d, *, nb):
    n, f = x.shape
    d = h_node.shape[1]
    steps = n // nb
    return pl.pallas_call(
        functools.partial(_mlp_cumsum_block, steps=steps, nb=nb, f=f, d=d),
        grid=(steps + 1,),
        in_specs=[
            pl.BlockSpec((nb, f), lambda i: (jnp.minimum(i, steps - 1), 0)),
            pl.BlockSpec((nb, d), lambda i: (jnp.minimum(i, steps - 1), 0)),
            pl.BlockSpec((f + d, d), lambda i: (0, 0)),
            pl.BlockSpec((1, d), lambda i: (0, 0)),
        ],
        out_specs=pl.BlockSpec((nb, 128), lambda i: (i, 0)),
        out_shape=jax.ShapeDtypeStruct(((steps + 1) * nb, 128), jnp.float32),
        scratch_shapes=[pltpu.VMEM((8, d), jnp.float32)],
        compiler_params=pltpu.CompilerParams(
            dimension_semantics=("arbitrary",)),
    )(x, h_node, w, b2d)


def _seg_diff_body(s_hbm, ptr_hbm, out_hbm, idx_v, buf_v, out_v, sem, *,
                   nc, d):
    wid = lax.axis_index("s") * nc + lax.axis_index("c")
    base = wid * _SEG_PER_W
    pltpu.sync_copy(ptr_hbm.at[pl.ds(base, _PTR_CHUNK)], idx_v)
    copies = []
    for off, ln in ((0, 112), (112, 112), (224, 104)):
        copies.append(pltpu.async_copy(
            s_hbm.at[idx_v.at[pl.ds(off, ln)]], buf_v.at[pl.ds(off, ln)],
            sem))
    for c in copies:
        c.wait()

    def body(j, carry):
        for c0 in range(0, d, 16):
            lo = buf_v[j, pl.ds(c0, 16)]
            hi = buf_v[j + 1, pl.ds(c0, 16)]
            out_v[j, pl.ds(c0, 16)] = hi - lo
        return carry

    lax.fori_loop(0, _SEG_PER_W, body, 0)
    pltpu.sync_copy(out_v, out_hbm.at[pl.ds(base, _SEG_PER_W)])


def _seg_diff(s_ex, ptr_pad, *, d):
    info = plsc.get_sparse_core_info()
    nc, ns = info.num_cores, info.num_subcores
    nw = nc * ns
    mesh = plsc.VectorSubcoreMesh(core_axis_name="c", subcore_axis_name="s")
    kern = functools.partial(
        pl.kernel,
        mesh=mesh,
        out_type=jax.ShapeDtypeStruct((nw * _SEG_PER_W, d), jnp.float32),
        scratch_types=[
            pltpu.VMEM((_PTR_CHUNK,), jnp.int32),
            pltpu.VMEM((_PTR_CHUNK, 128), jnp.float32),
            pltpu.VMEM((_SEG_PER_W, d), jnp.float32),
            pltpu.SemaphoreType.DMA,
        ],
        compiler_params=pltpu.CompilerParams(use_tc_tiling_on_sc=False),
    )(functools.partial(_seg_diff_body, nc=nc, d=d))
    return kern(s_ex, ptr_pad)


def kernel(h_node, x, ptr, W, b):
    n, d = h_node.shape
    nseg = ptr.shape[0] - 1
    s_ex = _mlp_cumsum(x, h_node, W, b.reshape(1, d), nb=_NB)
    info = plsc.get_sparse_core_info()
    nw = info.num_cores * info.num_subcores
    pad_len = nw * _SEG_PER_W + (_PTR_CHUNK - _SEG_PER_W) - (nseg + 1)
    ptr_pad = jnp.concatenate(
        [ptr, jnp.full((pad_len,), n, dtype=ptr.dtype)])
    out = _seg_diff(s_ex, ptr_pad, d=d)
    return out[:nseg]

# --- scband reference (transcript-rebuilt; emitter-appended) ---
"""Pipeline reference for scband-dag-encoder-7232724927125 (READ-ONLY COPY).

The authoritative reference and input builder live on the scoring server;
editing this copy changes nothing except your own understanding.
"""

import jax, jax.numpy as jnp
import numpy as np

N = 640000
F = 128   # num_node_features
D = 32    # embed_dim
B = 10000 # number of DAGs (segments)

def setup_inputs(seed: int = 0) -> dict:
    key = jax.random.key(seed)
    k1, k2, k3, k4 = jax.random.split(key, 4)
    h_node = jax.random.normal(k1, (N, D), dtype=jnp.float32)
    x = jax.random.normal(k2, (N, F), dtype=jnp.float32)
    ptr = jnp.sort(jax.random.randint(k3, (B + 1,), 0, N, dtype=jnp.int32))
    ptr = ptr.at[0].set(0).at[-1].set(N)
    # Linear(input_dim=F+D, embed_dim=D) params, Kaiming-ish init
    W = jax.random.normal(k4, (F + D, D), dtype=jnp.float32) * (1.0 / np.sqrt(F + D))
    b = jnp.zeros((D,), dtype=jnp.float32)
    return {"h_node": h_node, "x": x, "ptr": ptr, "W": W, "b": b}

def reference(h_node, x, ptr, W, b):
    # h_node = torch.cat([dag_batch.x, h_node], dim=1)
    h = jnp.concatenate([x, h_node], axis=1)
    # self.mlp = Linear(input_dim, embed_dim) + LeakyReLU(0.2)
    z = h @ W + b
    z = jnp.where(z >= 0, z, 0.2 * z)
    # segment_csr(z, ptr) with default reduce='sum'
    seg_ids = jnp.searchsorted(ptr, jnp.arange(N, dtype=ptr.dtype), side='right') - 1
    seg_ids = jnp.clip(seg_ids, 0, B - 1)
    h_dag = jax.ops.segment_sum(z, seg_ids, num_segments=B)
    return h_dag

if __name__ == "__main__":
    import jax
    _d = setup_inputs()
    print(jax.jit(kernel)(*tuple(_d.values())))

</pallas_src>

<mosaic_0001>
#map = affine_map<(d0, d1) -> (0, 0)>
#map1 = affine_map<(d0, d1) -> (0)>
module attributes {stable_mosaic.version = 14 : i64} {
  func.func @_seg_diff_body(%arg0: i32, %arg1: i32, %arg2: memref<645120x128xf32, #tpu.memory_space<hbm>>, %arg3: memref<10248xi32, #tpu.memory_space<hbm>>, %arg4: memref<10240x32xf32, #tpu.memory_space<hbm>>, %arg5: memref<328xi32, #tpu.memory_space<vmem>>, %arg6: memref<328x128xf32, #tpu.memory_space<vmem>>, %arg7: memref<320x32xf32, #tpu.memory_space<vmem>>, %arg8: memref<!tpu.dma_semaphore, #tpu.memory_space<semaphore_mem>>) attributes {dimension_semantics = [#tpu.dimension_semantics<core_parallel>, #tpu.dimension_semantics<subcore_parallel>], iteration_bounds = array<i64: 2, 16>, scalar_prefetch = 0 : i64, scratch_operands = 4 : i64, tpu.core_type = #tpu.core_type<sc_vector_subcore>, window_params = [{transform_indices = #map}, {transform_indices = #map1}, {transform_indices = #map}]} {
    %mul3A = arith.constant 2 : i32
    %mul3A_0 = arith.muli %arg1, %mul3A : i32
    %add3A = arith.addi %mul3A_0, %arg0 : i32
    %mul3A_1 = arith.constant 320 : i32
    %mul3A_2 = arith.muli %add3A, %mul3A_1 : i32
    "tpu.region"() ({
      %run_scoped3A = tpu.sem_alloc : memref<!tpu.dma_semaphore, #tpu.memory_space<semaphore_mem>>
      %dma_start3A_54 = tpu.memref_slice %arg3[%mul3A_2] : memref<10248xi32, #tpu.memory_space<hbm>> -> memref<328xi32, #tpu.memory_space<hbm>>
      %dma_start3A_55 = tpu.memref_slice %arg3[%mul3A_2] : memref<10248xi32, #tpu.memory_space<hbm>> -> memref<328xi32, #tpu.memory_space<hbm>>
      tpu.enqueue_dma source(%dma_start3A_55 : memref<328xi32, #tpu.memory_space<hbm>>) target(%arg5 : memref<328xi32, #tpu.memory_space<vmem>>) target_semaphore(%run_scoped3A : memref<!tpu.dma_semaphore, #tpu.memory_space<semaphore_mem>>)
      %dma_wait3A_56 = tpu.memref_slice %arg3[%mul3A_2] : memref<10248xi32, #tpu.memory_space<hbm>> -> memref<328xi32, #tpu.memory_space<hbm>>
      %dma_wait3A_57 = tpu.memref_slice %arg3[%mul3A_2] : memref<10248xi32, #tpu.memory_space<hbm>> -> memref<328xi32, #tpu.memory_space<hbm>>
      tpu.wait_dma2 semaphore(%run_scoped3A : memref<!tpu.dma_semaphore, #tpu.memory_space<semaphore_mem>>) src(%dma_wait3A_57 : memref<328xi32, #tpu.memory_space<hbm>>) dst(%arg5 : memref<328xi32, #tpu.memory_space<vmem>>)
      tpu.yield
    }) : () -> ()
    %dma_start3A = arith.constant 0 : i32
    %dma_start3A_3 = arith.constant 0 : i32
    %dma_start3A_4 = tpu.memref_slice %arg6[%dma_start3A, %dma_start3A_3] : memref<328x128xf32, #tpu.memory_space<vmem>> -> memref<112x128xf32, #tpu.memory_space<vmem>>
    %dma_start3A_5 = arith.constant 0 : i32
    %dma_start3A_6 = tpu.memref_slice %arg5[%dma_start3A_5] : memref<328xi32, #tpu.memory_space<vmem>> -> memref<112xi32, #tpu.memory_space<vmem>>
    %dma_start3A_7 = arith.constant 0 : i32
    %dma_start3A_8 = arith.constant 0 : i32
    %dma_start3A_9 = tpu.memref_slice %arg2[%dma_start3A_7, %dma_start3A_8] : memref<645120x128xf32, #tpu.memory_space<hbm>> -> memref<645120x128xf32, #tpu.memory_space<hbm>>
    tpu.enqueue_indirect_dma source(%dma_start3A_9 : memref<645120x128xf32, #tpu.memory_space<hbm>>) target(%dma_start3A_4 : memref<112x128xf32, #tpu.memory_space<vmem>>) offsets(%dma_start3A_6 : memref<112xi32, #tpu.memory_space<vmem>>) semaphore(%arg8 : memref<!tpu.dma_semaphore, #tpu.memory_space<semaphore_mem>>)
    %dma_start3A_10 = arith.constant 112 : i32
    %dma_start3A_11 = arith.constant 0 : i32
    %dma_start3A_12 = tpu.memref_slice %arg6[%dma_start3A_10, %dma_start3A_11] : memref<328x128xf32, #tpu.memory_space<vmem>> -> memref<112x128xf32, #tpu.memory_space<vmem>>
    %dma_start3A_13 = arith.constant 112 : i32
    %dma_start3A_14 = tpu.memref_slice %arg5[%dma_start3A_13] : memref<328xi32, #tpu.memory_space<vmem>> -> memref<112xi32, #tpu.memory_space<vmem>>
    %dma_start3A_15 = arith.constant 0 : i32
    %dma_start3A_16 = arith.constant 0 : i32
    %dma_start3A_17 = tpu.memref_slice %arg2[%dma_start3A_15, %dma_start3A_16] : memref<645120x128xf32, #tpu.memory_space<hbm>> -> memref<645120x128xf32, #tpu.memory_space<hbm>>
    tpu.enqueue_indirect_dma source(%dma_start3A_17 : memref<645120x128xf32, #tpu.memory_space<hbm>>) target(%dma_start3A_12 : memref<112x128xf32, #tpu.memory_space<vmem>>) offsets(%dma_start3A_14 : memref<112xi32, #tpu.memory_space<vmem>>) semaphore(%arg8 : memref<!tpu.dma_semaphore, #tpu.memory_space<semaphore_mem>>)
    %dma_start3A_18 = arith.constant 224 : i32
    %dma_start3A_19 = arith.constant 0 : i32
    %dma_start3A_20 = tpu.memref_slice %arg6[%dma_start3A_18, %dma_start3A_19] : memref<328x128xf32, #tpu.memory_space<vmem>> -> memref<104x128xf32, #tpu.memory_space<vmem>>
    %dma_start3A_21 = arith.constant 224 : i32
    %dma_start3A_22 = tpu.memref_slice %arg5[%dma_start3A_21] : memref<328xi32, #tpu.memory_space<vmem>> -> memref<104xi32, #tpu.memory_space<vmem>>
    %dma_start3A_23 = arith.constant 0 : i32
    %dma_start3A_24 = arith.constant 0 : i32
    %dma_start3A_25 = tpu.memref_slice %arg2[%dma_start3A_23, %dma_start3A_24] : memref<645120x128xf32, #tpu.memory_space<hbm>> -> memref<645120x128xf32, #tpu.memory_space<hbm>>
    tpu.enqueue_indirect_dma source(%dma_start3A_25 : memref<645120x128xf32, #tpu.memory_space<hbm>>) target(%dma_start3A_20 : memref<104x128xf32, #tpu.memory_space<vmem>>) offsets(%dma_start3A_22 : memref<104xi32, #tpu.memory_space<vmem>>) semaphore(%arg8 : memref<!tpu.dma_semaphore, #tpu.memory_space<semaphore_mem>>)
    %dma_wait3A = arith.constant 0 : i32
    %dma_wait3A_26 = arith.constant 0 : i32
    %dma_wait3A_27 = tpu.memref_slice %arg6[%dma_wait3A, %dma_wait3A_26] : memref<328x128xf32, #tpu.memory_space<vmem>> -> memref<112x128xf32, #tpu.memory_space<vmem>>
    %dma_wait3A_28 = arith.constant 0 : i32
    %dma_wait3A_29 = tpu.memref_slice %arg5[%dma_wait3A_28] : memref<328xi32, #tpu.memory_space<vmem>> -> memref<112xi32, #tpu.memory_space<vmem>>
    %dma_wait3A_30 = arith.constant 0 : i32
    %dma_wait3A_31 = arith.constant 0 : i32
    %dma_wait3A_32 = tpu.memref_slice %arg2[%dma_wait3A_30, %dma_wait3A_31] : memref<645120x128xf32, #tpu.memory_space<hbm>> -> memref<645120x128xf32, #tpu.memory_space<hbm>>
    tpu.wait_indirect_dma semaphore(%arg8 : memref<!tpu.dma_semaphore, #tpu.memory_space<semaphore_mem>>) src(%dma_wait3A_32 : memref<645120x128xf32, #tpu.memory_space<hbm>>) dst(%dma_wait3A_27 : memref<112x128xf32, #tpu.memory_space<vmem>>)
    %dma_wait3A_33 = arith.constant 112 : i32
    %dma_wait3A_34 = arith.constant 0 : i32
    %dma_wait3A_35 = tpu.memref_slice %arg6[%dma_wait3A_33, %dma_wait3A_34] : memref<328x128xf32, #tpu.memory_space<vmem>> -> memref<112x128xf32, #tpu.memory_space<vmem>>
    %dma_wait3A_36 = arith.constant 112 : i32
    %dma_wait3A_37 = tpu.memref_slice %arg5[%dma_wait3A_36] : memref<328xi32, #tpu.memory_space<vmem>> -> memref<112xi32, #tpu.memory_space<vmem>>
    %dma_wait3A_38 = arith.constant 0 : i32
    %dma_wait3A_39 = arith.constant 0 : i32
    %dma_wait3A_40 = tpu.memref_slice %arg2[%dma_wait3A_38, %dma_wait3A_39] : memref<645120x128xf32, #tpu.memory_space<hbm>> -> memref<645120x128xf32, #tpu.memory_space<hbm>>
    tpu.wait_indirect_dma semaphore(%arg8 : memref<!tpu.dma_semaphore, #tpu.memory_space<semaphore_mem>>) src(%dma_wait3A_40 : memref<645120x128xf32, #tpu.memory_space<hbm>>) dst(%dma_wait3A_35 : memref<112x128xf32, #tpu.memory_space<vmem>>)
    %dma_wait3A_41 = arith.constant 224 : i32
    %dma_wait3A_42 = arith.constant 0 : i32
    %dma_wait3A_43 = tpu.memref_slice %arg6[%dma_wait3A_41, %dma_wait3A_42] : memref<328x128xf32, #tpu.memory_space<vmem>> -> memref<104x128xf32, #tpu.memory_space<vmem>>
    %dma_wait3A_44 = arith.constant 224 : i32
    %dma_wait3A_45 = tpu.memref_slice %arg5[%dma_wait3A_44] : memref<328xi32, #tpu.memory_space<vmem>> -> memref<104xi32, #tpu.memory_space<vmem>>
    %dma_wait3A_46 = arith.constant 0 : i32
    %dma_wait3A_47 = arith.constant 0 : i32
    %dma_wait3A_48 = tpu.memref_slice %arg2[%dma_wait3A_46, %dma_wait3A_47] : memref<645120x128xf32, #tpu.memory_space<hbm>> -> memref<645120x128xf32, #tpu.memory_space<hbm>>
    tpu.wait_indirect_dma semaphore(%arg8 : memref<!tpu.dma_semaphore, #tpu.memory_space<semaphore_mem>>) src(%dma_wait3A_48 : memref<645120x128xf32, #tpu.memory_space<hbm>>) dst(%dma_wait3A_43 : memref<104x128xf32, #tpu.memory_space<vmem>>)
    %scan3A = arith.constant 0 : i32
    %scan3A_49 = arith.constant 0 : i32
    %scan3A_50 = arith.constant 320 : i32
    %scan3A_51 = arith.addi %scan3A_49, %scan3A_50 : i32
    %scan3A_52 = arith.constant 1 : i32
    scf.for %scan3A_54 = %scan3A_49 to %scan3A_51 step %scan3A_52  : i32 {
      %get3A = arith.index_cast %scan3A_54 : i32 to index
      %get3A_55 = arith.constant 0 : index
      %get3A_56 = tpu.vector_load %arg6[%get3A, %get3A_55] {strides = array<i32>} : memref<328x128xf32, #tpu.memory_space<vmem>>, vector<1x16xf32>,
      %get3A_57 = vector.shape_cast %get3A_56 : vector<1x16xf32> to vector<16xf32>
      %add3A_58 = arith.constant 1 : i32
      %add3A_59 = arith.addi %scan3A_54, %add3A_58 : i32
      %get3A_60 = arith.index_cast %add3A_59 : i32 to index
      %get3A_61 = arith.constant 0 : index
      %get3A_62 = tpu.vector_load %arg6[%get3A_60, %get3A_61] {strides = array<i32>} : memref<328x128xf32, #tpu.memory_space<vmem>>, vector<1x16xf32>,
      %get3A_63 = vector.shape_cast %get3A_62 : vector<1x16xf32> to vector<16xf32>
      %sub3A = arith.subf %get3A_63, %get3A_57 : vector<16xf32>
      %swap3A = arith.index_cast %scan3A_54 : i32 to index
      %swap3A_64 = arith.constant 0 : index
      %swap3A_65 = tpu.vector_load %arg7[%swap3A, %swap3A_64] {strides = array<i32>} : memref<320x32xf32, #tpu.memory_space<vmem>>, vector<1x16xf32>,
      %swap3A_66 = vector.shape_cast %swap3A_65 : vector<1x16xf32> to vector<16xf32>
      %swap3A_67 = vector.shape_cast %sub3A : vector<16xf32> to vector<1x16xf32>
      tpu.vector_store %arg7[%swap3A, %swap3A_64], %swap3A_67 {strides = array<i32>} : memref<320x32xf32, #tpu.memory_space<vmem>>, vector<1x16xf32>,
      %get3A_68 = arith.index_cast %scan3A_54 : i32 to index
      %get3A_69 = arith.constant 16 : index
      %get3A_70 = tpu.vector_load %arg6[%get3A_68, %get3A_69] {strides = array<i32>} : memref<328x128xf32, #tpu.memory_space<vmem>>, vector<1x16xf32>,
      %get3A_71 = vector.shape_cast %get3A_70 : vector<1x16xf32> to vector<16xf32>
      %add3A_72 = arith.constant 1 : i32
      %add3A_73 = arith.addi %scan3A_54, %add3A_72 : i32
      %get3A_74 = arith.index_cast %add3A_73 : i32 to index
      %get3A_75 = arith.constant 16 : index
      %get3A_76 = tpu.vector_load %arg6[%get3A_74, %get3A_75] {strides = array<i32>} : memref<328x128xf32, #tpu.memory_space<vmem>>, vector<1x16xf32>,
      %get3A_77 = vector.shape_cast %get3A_76 : vector<1x16xf32> to vector<16xf32>
      %sub3A_78 = arith.subf %get3A_77, %get3A_71 : vector<16xf32>
      %swap3A_79 = arith.index_cast %scan3A_54 : i32 to index
      %swap3A_80 = arith.constant 16 : index
      %swap3A_81 = tpu.vector_load %arg7[%swap3A_79, %swap3A_80] {strides = array<i32>} : memref<320x32xf32, #tpu.memory_space<vmem>>, vector<1x16xf32>,
      %swap3A_82 = vector.shape_cast %swap3A_81 : vector<1x16xf32> to vector<16xf32>
      %swap3A_83 = vector.shape_cast %sub3A_78 : vector<16xf32> to vector<1x16xf32>
      tpu.vector_store %arg7[%swap3A_79, %swap3A_80], %swap3A_83 {strides = array<i32>} : memref<320x32xf32, #tpu.memory_space<vmem>>, vector<1x16xf32>,
    }
    %scan3A_53 = arith.constant 320 : i32
    "tpu.region"() ({
      %run_scoped3A = tpu.sem_alloc : memref<!tpu.dma_semaphore, #tpu.memory_space<semaphore_mem>>
      %dma_start3A_54 = arith.constant 0 : i32
      %dma_start3A_55 = tpu.memref_slice %arg4[%mul3A_2, %dma_start3A_54] : memref<10240x32xf32, #tpu.memory_space<hbm>> -> memref<320x32xf32, #tpu.memory_space<hbm>>
      %dma_start3A_56 = arith.constant 0 : i32
      %dma_start3A_57 = tpu.memref_slice %arg4[%mul3A_2, %dma_start3A_56] : memref<10240x32xf32, #tpu.memory_space<hbm>> -> memref<320x32xf32, #tpu.memory_space<hbm>>
      tpu.enqueue_dma source(%arg7 : memref<320x32xf32, #tpu.memory_space<vmem>>) target(%dma_start3A_57 : memref<320x32xf32, #tpu.memory_space<hbm>>) target_semaphore(%run_scoped3A : memref<!tpu.dma_semaphore, #tpu.memory_space<semaphore_mem>>)
      %dma_wait3A_58 = arith.constant 0 : i32
      %dma_wait3A_59 = tpu.memref_slice %arg4[%mul3A_2, %dma_wait3A_58] : memref<10240x32xf32, #tpu.memory_space<hbm>> -> memref<320x32xf32, #tpu.memory_space<hbm>>
      %dma_wait3A_60 = arith.constant 0 : i32
      %dma_wait3A_61 = tpu.memref_slice %arg4[%mul3A_2, %dma_wait3A_60] : memref<10240x32xf32, #tpu.memory_space<hbm>> -> memref<320x32xf32, #tpu.memory_space<hbm>>
      tpu.wait_dma2 semaphore(%run_scoped3A : memref<!tpu.dma_semaphore, #tpu.memory_space<semaphore_mem>>) src(%arg7 : memref<320x32xf32, #tpu.memory_space<vmem>>) dst(%dma_wait3A_61 : memref<320x32xf32, #tpu.memory_space<hbm>>)
      tpu.yield
    }) : () -> ()
    return
  }
}

module attributes {stable_mosaic.version = 14 : i64} {
  func.func @_mlp_cumsum_block(%arg0: i32, %arg1: memref<5120x128xf32, #tpu.memory_space<vmem>>, %arg2: memref<5120x32xf32, #tpu.memory_space<vmem>>, %arg3: memref<160x32xf32, #tpu.memory_space<vmem>>, %arg4: memref<1x32xf32, #tpu.memory_space<vmem>>, %arg5: memref<5120x128xf32, #tpu.memory_space<vmem>>, %arg6: memref<8x32xf32, #tpu.memory_space<vmem>>) attributes {dimension_semantics = [#tpu.dimension_semantics<arbitrary>], iteration_bounds = array<i64: 126>, scalar_prefetch = 0 : i64, scratch_operands = 1 : i64, tpu.core_type = #tpu.core_type<tc>, window_params = [{transform_indices = @transform_0, window_bounds = array<i64: 5120, 128>}, {transform_indices = @transform_1, window_bounds = array<i64: 5120, 32>}, {pipeline_mode = #tpu.pipeline_mode<synchronous>, transform_indices = @transform_2, window_bounds = array<i64: 160, 32>}, {pipeline_mode = #tpu.pipeline_mode<synchronous>, transform_indices = @transform_3, window_bounds = array<i64: 1, 32>}, {transform_indices = @transform_4, window_bounds = array<i64: 5120, 128>}]} {
    %eq3A = arith.constant 0 : i32
    %eq3A_0 = arith.cmpi eq, %arg0, %eq3A : i32
    %convert_element_type3A = arith.extui %eq3A_0 : i1 to i32
    %cond3A = arith.constant 0 : i32
    %cond3A_1 = arith.cmpi ne, %convert_element_type3A, %cond3A : i32
    scf.if %cond3A_1 {
      %broadcast_in_dim3A = arith.constant 0.000000e+00 : f32
      %broadcast_in_dim3A_13 = vector.broadcast %broadcast_in_dim3A : f32 to vector<8x32xf32>
      %swap3A = arith.constant 0 : index
      %swap3A_14 = arith.constant 0 : index
      %swap3A_15 = vector.load %arg6[%swap3A, %swap3A_14] : memref<8x32xf32, #tpu.memory_space<vmem>>, vector<8x32xf32>
      tpu.vector_store %arg6[%swap3A, %swap3A_14], %broadcast_in_dim3A_13 {strides = array<i32>} : memref<8x32xf32, #tpu.memory_space<vmem>>, vector<8x32xf32>,
    } else {
    }
    %get3A = arith.constant 0 : index
    %get3A_2 = arith.constant 0 : index
    %get3A_3 = vector.load %arg6[%get3A, %get3A_2] : memref<8x32xf32, #tpu.memory_space<vmem>>, vector<1x32xf32>
    %lt3A = arith.constant 125 : i32
    %lt3A_4 = arith.cmpi slt, %arg0, %lt3A : i32
    %convert_element_type3A_5 = arith.extui %lt3A_4 : i1 to i32
    %cond3A_6 = arith.constant 0 : i32
    %cond3A_7 = arith.cmpi ne, %convert_element_type3A_5, %cond3A_6 : i32
    scf.if %cond3A_7 {
      %get3A_13 = arith.constant 0 : index
      %get3A_14 = arith.constant 0 : index
      %get3A_15 = vector.load %arg3[%get3A_13, %get3A_14] : memref<160x32xf32, #tpu.memory_space<vmem>>, vector<160x32xf32>
      %get3A_16 = arith.constant 0 : index
      %get3A_17 = arith.constant 0 : index
      %get3A_18 = vector.load %arg1[%get3A_16, %get3A_17] : memref<5120x128xf32, #tpu.memory_space<vmem>>, vector<5120x128xf32>
      %slice3A = vector.extract_strided_slice %get3A_15 {offsets = [0, 0], sizes = [128, 32], strides = [1, 1]} : vector<160x32xf32> to vector<128x32xf32>
      %dot_general3A = arith.constant dense<0.000000e+00> : vector<5120x32xf32>
      %dot_general3A_19 = tpu.matmul %get3A_18, %slice3A, %dot_general3A {dimension_numbers = #tpu.dot_dimension_numbers<[1], [0], [0], [1], [0, 0, 1, 1], [], []>, transpose_lhs_hint = false} : vector<5120x128xf32>, vector<128x32xf32>, vector<5120x32xf32> -> vector<5120x32xf32>
      %get3A_20 = arith.constant 0 : index
      %get3A_21 = arith.constant 0 : index
      %get3A_22 = vector.load %arg2[%get3A_20, %get3A_21] : memref<5120x32xf32, #tpu.memory_space<vmem>>, vector<5120x32xf32>
      %slice3A_23 = vector.extract_strided_slice %get3A_15 {offsets = [128, 0], sizes = [32, 32], strides = [1, 1]} : vector<160x32xf32> to vector<32x32xf32>
      %dot_general3A_24 = arith.constant dense<0.000000e+00> : vector<5120x32xf32>
      %dot_general3A_25 = tpu.matmul %get3A_22, %slice3A_23, %dot_general3A_24 {dimension_numbers = #tpu.dot_dimension_numbers<[1], [0], [0], [1], [0, 0, 1, 1], [], []>, transpose_lhs_hint = false} : vector<5120x32xf32>, vector<32x32xf32>, vector<5120x32xf32> -> vector<5120x32xf32>
      %add3A = arith.addf %dot_general3A_19, %dot_general3A_25 : vector<5120x32xf32>
      %get3A_26 = arith.constant 0 : index
      %get3A_27 = arith.constant 0 : index
      %get3A_28 = vector.load %arg4[%get3A_26, %get3A_27] : memref<1x32xf32, #tpu.memory_space<vmem>>, vector<1x32xf32>
      %add3A_29 = vector.broadcast %get3A_28 : vector<1x32xf32> to vector<5120x32xf32>
      %add3A_30 = arith.addf %add3A, %add3A_29 : vector<5120x32xf32>
      %ge3A = arith.constant 0.000000e+00 : f32
      %ge3A_31 = vector.broadcast %ge3A : f32 to vector<5120x32xf32>
      %ge3A_32 = arith.cmpf oge, %add3A_30, %ge3A_31 : vector<5120x32xf32>
      %mul3A = arith.constant 2.000000e-01 : f32
      %mul3A_33 = vector.broadcast %mul3A : f32 to vector<5120x32xf32>
      %mul3A_34 = arith.mulf %mul3A_33, %add3A_30 : vector<5120x32xf32>
      %select_n3A = arith.select %ge3A_32, %add3A_30, %mul3A_34 : vector<5120x32xi1>, vector<5120x32xf32>
      %iota3A = tpu.iota {dimensions = array<i32: 0>} : vector<512x512xi32>
      %iota3A_35 = tpu.iota {dimensions = array<i32: 1>} : vector<512x512xi32>
      %gt3A = arith.cmpi sgt, %iota3A, %iota3A_35 : vector<512x512xi32>
      %convert_element_type3A_36 = arith.extui %gt3A : vector<512x512xi1> to vector<512x512xi32>
      %convert_element_type3A_37 = arith.sitofp %convert_element_type3A_36 : vector<512x512xi32> to vector<512x512xf32>
      %broadcast_in_dim3A = arith.constant 1.000000e+00 : f32
      %broadcast_in_dim3A_38 = vector.broadcast %broadcast_in_dim3A : f32 to vector<1x512xf32>
      %slice3A_39 = vector.extract_strided_slice %select_n3A {offsets = [0, 0], sizes = [512, 32], strides = [1, 1]} : vector<5120x32xf32> to vector<512x32xf32>
      %dot_general3A_40 = arith.constant dense<0.000000e+00> : vector<512x32xf32>
      %dot_general3A_41 = tpu.matmul %convert_element_type3A_37, %slice3A_39, %dot_general3A_40 {dimension_numbers = #tpu.dot_dimension_numbers<[1], [0], [0], [1], [0, 0, 1, 1], [], []>, transpose_lhs_hint = false} : vector<512x512xf32>, vector<512x32xf32>, vector<512x32xf32> -> vector<512x32xf32>
      %add3A_42 = vector.broadcast %get3A_3 : vector<1x32xf32> to vector<512x32xf32>
      %add3A_43 = arith.addf %add3A_42, %dot_general3A_41 : vector<512x32xf32>
      %dot_general3A_44 = arith.constant dense<0.000000e+00> : vector<1x32xf32>
      %dot_general3A_45 = tpu.matmul %broadcast_in_dim3A_38, %slice3A_39, %dot_general3A_44 {dimension_numbers = #tpu.dot_dimension_numbers<[1], [0], [0], [1], [0, 0, 1, 1], [], []>, transpose_lhs_hint = false} : vector<1x512xf32>, vector<512x32xf32>, vector<1x32xf32> -> vector<1x32xf32>
      %add3A_46 = arith.addf %get3A_3, %dot_general3A_45 : vector<1x32xf32>
      %slice3A_47 = vector.extract_strided_slice %select_n3A {offsets = [512, 0], sizes = [512, 32], strides = [1, 1]} : vector<5120x32xf32> to vector<512x32xf32>
      %dot_general3A_48 = arith.constant dense<0.000000e+00> : vector<512x32xf32>
      %dot_general3A_49 = tpu.matmul %convert_element_type3A_37, %slice3A_47, %dot_general3A_48 {dimension_numbers = #tpu.dot_dimension_numbers<[1], [0], [0], [1], [0, 0, 1, 1], [], []>, transpose_lhs_hint = false} : vector<512x512xf32>, vector<512x32xf32>, vector<512x32xf32> -> vector<512x32xf32>
      %add3A_50 = vector.broadcast %add3A_46 : vector<1x32xf32> to vector<512x32xf32>
      %add3A_51 = arith.addf %add3A_50, %dot_general3A_49 : vector<512x32xf32>
      %dot_general3A_52 = arith.constant dense<0.000000e+00> : vector<1x32xf32>
      %dot_general3A_53 = tpu.matmul %broadcast_in_dim3A_38, %slice3A_47, %dot_general3A_52 {dimension_numbers = #tpu.dot_dimension_numbers<[1], [0], [0], [1], [0, 0, 1, 1], [], []>, transpose_lhs_hint = false} : vector<1x512xf32>, vector<512x32xf32>, vector<1x32xf32> -> vector<1x32xf32>
      %add3A_54 = arith.addf %add3A_46, %dot_general3A_53 : vector<1x32xf32>
      %slice3A_55 = vector.extract_strided_slice %select_n3A {offsets = [1024, 0], sizes = [512, 32], strides = [1, 1]} : vector<5120x32xf32> to vector<512x32xf32>
      %dot_general3A_56 = arith.constant dense<0.000000e+00> : vector<512x32xf32>
      %dot_general3A_57 = tpu.matmul %convert_element_type3A_37, %slice3A_55, %dot_general3A_56 {dimension_numbers = #tpu.dot_dimension_numbers<[1], [0], [0], [1], [0, 0, 1, 1], [], []>, transpose_lhs_hint = false} : vector<512x512xf32>, vector<512x32xf32>, vector<512x32xf32> -> vector<512x32xf32>
      %add3A_58 = vector.broadcast %add3A_54 : vector<1x32xf32> to vector<512x32xf32>
      %add3A_59 = arith.addf %add3A_58, %dot_general3A_57 : vector<512x32xf32>
      %dot_general3A_60 = arith.constant dense<0.000000e+00> : vector<1x32xf32>
      %dot_general3A_61 = tpu.matmul %broadcast_in_dim3A_38, %slice3A_55, %dot_general3A_60 {dimension_numbers = #tpu.dot_dimension_numbers<[1], [0], [0], [1], [0, 0, 1, 1], [], []>, transpose_lhs_hint = false} : vector<1x512xf32>, vector<512x32xf32>, vector<1x32xf32> -> vector<1x32xf32>
      %add3A_62 = arith.addf %add3A_54, %dot_general3A_61 : vector<1x32xf32>
      %slice3A_63 = vector.extract_strided_slice %select_n3A {offsets = [1536, 0], sizes = [512, 32], strides = [1, 1]} : vector<5120x32xf32> to vector<512x32xf32>
      %dot_general3A_64 = arith.constant dense<0.000000e+00> : vector<512x32xf32>
      %dot_general3A_65 = tpu.matmul %convert_element_type3A_37, %slice3A_63, %dot_general3A_64 {dimension_numbers = #tpu.dot_dimension_numbers<[1], [0], [0], [1], [0, 0, 1, 1], [], []>, transpose_lhs_hint = false} : vector<512x512xf32>, vector<512x32xf32>, vector<512x32xf32> -> vector<512x32xf32>
      %add3A_66 = vector.broadcast %add3A_62 : vector<1x32xf32> to vector<512x32xf32>
      %add3A_67 = arith.addf %add3A_66, %dot_general3A_65 : vector<512x32xf32>
      %dot_general3A_68 = arith.constant dense<0.000000e+00> : vector<1x32xf32>
      %dot_general3A_69 = tpu.matmul %broadcast_in_dim3A_38, %slice3A_63, %dot_general3A_68 {dimension_numbers = #tpu.dot_dimension_numbers<[1], [0], [0], [1], [0, 0, 1, 1], [], []>, transpose_lhs_hint = false} : vector<1x512xf32>, vector<512x32xf32>, vector<1x32xf32> -> vector<1x32xf32>
      %add3A_70 = arith.addf %add3A_62, %dot_general3A_69 : vector<1x32xf32>
      %slice3A_71 = vector.extract_strided_slice %select_n3A {offsets = [2048, 0], sizes = [512, 32], strides = [1, 1]} : vector<5120x32xf32> to vector<512x32xf32>
      %dot_general3A_72 = arith.constant dense<0.000000e+00> : vector<512x32xf32>
      %dot_general3A_73 = tpu.matmul %convert_element_type3A_37, %slice3A_71, %dot_general3A_72 {dimension_numbers = #tpu.dot_dimension_numbers<[1], [0], [0], [1], [0, 0, 1, 1], [], []>, transpose_lhs_hint = false} : vector<512x512xf32>, vector<512x32xf32>, vector<512x32xf32> -> vector<512x32xf32>
      %add3A_74 = vector.broadcast %add3A_70 : vector<1x32xf32> to vector<512x32xf32>
      %add3A_75 = arith.addf %add3A_74, %dot_general3A_73 : vector<512x32xf32>
      %dot_general3A_76 = arith.constant dense<0.000000e+00> : vector<1x32xf32>
      %dot_general3A_77 = tpu.matmul %broadcast_in_dim3A_38, %slice3A_71, %dot_general3A_76 {dimension_numbers = #tpu.dot_dimension_numbers<[1], [0], [0], [1], [0, 0, 1, 1], [], []>, transpose_lhs_hint = false} : vector<1x512xf32>, vector<512x32xf32>, vector<1x32xf32> -> vector<1x32xf32>
      %add3A_78 = arith.addf %add3A_70, %dot_general3A_77 : vector<1x32xf32>
      %slice3A_79 = vector.extract_strided_slice %select_n3A {offsets = [2560, 0], sizes = [512, 32], strides = [1, 1]} : vector<5120x32xf32> to vector<512x32xf32>
      %dot_general3A_80 = arith.constant dense<0.000000e+00> : vector<512x32xf32>
      %dot_general3A_81 = tpu.matmul %convert_element_type3A_37, %slice3A_79, %dot_general3A_80 {dimension_numbers = #tpu.dot_dimension_numbers<[1], [0], [0], [1], [0, 0, 1, 1], [], []>, transpose_lhs_hint = false} : vector<512x512xf32>, vector<512x32xf32>, vector<512x32xf32> -> vector<512x32xf32>
      %add3A_82 = vector.broadcast %add3A_78 : vector<1x32xf32> to vector<512x32xf32>
      %add3A_83 = arith.addf %add3A_82, %dot_general3A_81 : vector<512x32xf32>
      %dot_general3A_84 = arith.constant dense<0.000000e+00> : vector<1x32xf32>
      %dot_general3A_85 = tpu.matmul %broadcast_in_dim3A_38, %slice3A_79, %dot_general3A_84 {dimension_numbers = #tpu.dot_dimension_numbers<[1], [0], [0], [1], [0, 0, 1, 1], [], []>, transpose_lhs_hint = false} : vector<1x512xf32>, vector<512x32xf32>, vector<1x32xf32> -> vector<1x32xf32>
      %add3A_86 = arith.addf %add3A_78, %dot_general3A_85 : vector<1x32xf32>
      %slice3A_87 = vector.extract_strided_slice %select_n3A {offsets = [3072, 0], sizes = [512, 32], strides = [1, 1]} : vector<5120x32xf32> to vector<512x32xf32>
      %dot_general3A_88 = arith.constant dense<0.000000e+00> : vector<512x32xf32>
      %dot_general3A_89 = tpu.matmul %convert_element_type3A_37, %slice3A_87, %dot_general3A_88 {dimension_numbers = #tpu.dot_dimension_numbers<[1], [0], [0], [1], [0, 0, 1, 1], [], []>, transpose_lhs_hint = false} : vector<512x512xf32>, vector<512x32xf32>, vector<512x32xf32> -> vector<512x32xf32>
      %add3A_90 = vector.broadcast %add3A_86 : vector<1x32xf32> to vector<512x32xf32>
      %add3A_91 = arith.addf %add3A_90, %dot_general3A_89 : vector<512x32xf32>
      %dot_general3A_92 = arith.constant dense<0.000000e+00> : vector<1x32xf32>
      %dot_general3A_93 = tpu.matmul %broadcast_in_dim3A_38, %slice3A_87, %dot_general3A_92 {dimension_numbers = #tpu.dot_dimension_numbers<[1], [0], [0], [1], [0, 0, 1, 1], [], []>, transpose_lhs_hint = false} : vector<1x512xf32>, vector<512x32xf32>, vector<1x32xf32> -> vector<1x32xf32>
      %add3A_94 = arith.addf %add3A_86, %dot_general3A_93 : vector<1x32xf32>
      %slice3A_95 = vector.extract_strided_slice %select_n3A {offsets = [3584, 0], sizes = [512, 32], strides = [1, 1]} : vector<5120x32xf32> to vector<512x32xf32>
      %dot_general3A_96 = arith.constant dense<0.000000e+00> : vector<512x32xf32>
      %dot_general3A_97 = tpu.matmul %convert_element_type3A_37, %slice3A_95, %dot_general3A_96 {dimension_numbers = #tpu.dot_dimension_numbers<[1], [0], [0], [1], [0, 0, 1, 1], [], []>, transpose_lhs_hint = false} : vector<512x512xf32>, vector<512x32xf32>, vector<512x32xf32> -> vector<512x32xf32>
      %add3A_98 = vector.broadcast %add3A_94 : vector<1x32xf32> to vector<512x32xf32>
      %add3A_99 = arith.addf %add3A_98, %dot_general3A_97 : vector<512x32xf32>
      %dot_general3A_100 = arith.constant dense<0.000000e+00> : vector<1x32xf32>
      %dot_general3A_101 = tpu.matmul %broadcast_in_dim3A_38, %slice3A_95, %dot_general3A_100 {dimension_numbers = #tpu.dot_dimension_numbers<[1], [0], [0], [1], [0, 0, 1, 1], [], []>, transpose_lhs_hint = false} : vector<1x512xf32>, vector<512x32xf32>, vector<1x32xf32> -> vector<1x32xf32>
      %add3A_102 = arith.addf %add3A_94, %dot_general3A_101 : vector<1x32xf32>
      %slice3A_103 = vector.extract_strided_slice %select_n3A {offsets = [4096, 0], sizes = [512, 32], strides = [1, 1]} : vector<5120x32xf32> to vector<512x32xf32>
      %dot_general3A_104 = arith.constant dense<0.000000e+00> : vector<512x32xf32>
      %dot_general3A_105 = tpu.matmul %convert_element_type3A_37, %slice3A_103, %dot_general3A_104 {dimension_numbers = #tpu.dot_dimension_numbers<[1], [0], [0], [1], [0, 0, 1, 1], [], []>, transpose_lhs_hint = false} : vector<512x512xf32>, vector<512x32xf32>, vector<512x32xf32> -> vector<512x32xf32>
      %add3A_106 = vector.broadcast %add3A_102 : vector<1x32xf32> to vector<512x32xf32>
      %add3A_107 = arith.addf %add3A_106, %dot_general3A_105 : vector<512x32xf32>
      %dot_general3A_108 = arith.constant dense<0.000000e+00> : vector<1x32xf32>
      %dot_general3A_109 = tpu.matmul %broadcast_in_dim3A_38, %slice3A_103, %dot_general3A_108 {dimension_numbers = #tpu.dot_dimension_numbers<[1], [0], [0], [1], [0, 0, 1, 1], [], []>, transpose_lhs_hint = false} : vector<1x512xf32>, vector<512x32xf32>, vector<1x32xf32> -> vector<1x32xf32>
      %add3A_110 = arith.addf %add3A_102, %dot_general3A_109 : vector<1x32xf32>
      %slice3A_111 = vector.extract_strided_slice %select_n3A {offsets = [4608, 0], sizes = [512, 32], strides = [1, 1]} : vector<5120x32xf32> to vector<512x32xf32>
      %dot_general3A_112 = arith.constant dense<0.000000e+00> : vector<512x32xf32>
      %dot_general3A_113 = tpu.matmul %convert_element_type3A_37, %slice3A_111, %dot_general3A_112 {dimension_numbers = #tpu.dot_dimension_numbers<[1], [0], [0], [1], [0, 0, 1, 1], [], []>, transpose_lhs_hint = false} : vector<512x512xf32>, vector<512x32xf32>, vector<512x32xf32> -> vector<512x32xf32>
      %add3A_114 = vector.broadcast %add3A_110 : vector<1x32xf32> to vector<512x32xf32>
      %add3A_115 = arith.addf %add3A_114, %dot_general3A_113 : vector<512x32xf32>
      %dot_general3A_116 = arith.constant dense<0.000000e+00> : vector<1x32xf32>
      %dot_general3A_117 = tpu.matmul %broadcast_in_dim3A_38, %slice3A_111, %dot_general3A_116 {dimension_numbers = #tpu.dot_dimension_numbers<[1], [0], [0], [1], [0, 0, 1, 1], [], []>, transpose_lhs_hint = false} : vector<1x512xf32>, vector<512x32xf32>, vector<1x32xf32> -> vector<1x32xf32>
      %add3A_118 = arith.addf %add3A_110, %dot_general3A_117 : vector<1x32xf32>
      %concatenate3A = tpu.concatenate %add3A_43, %add3A_51, %add3A_59, %add3A_67, %add3A_75, %add3A_83, %add3A_91, %add3A_99, %add3A_107, %add3A_115 in 0 : vector<512x32xf32>, vector<512x32xf32>, vector<512x32xf32>, vector<512x32xf32>, vector<512x32xf32>, vector<512x32xf32>, vector<512x32xf32>, vector<512x32xf32>, vector<512x32xf32>, vector<512x32xf32> -> vector<5120x32xf32>
      %swap3A = arith.constant 0 : index
      %swap3A_119 = arith.constant 0 : index
      %swap3A_120 = vector.load %arg5[%swap3A, %swap3A_119] : memref<5120x128xf32, #tpu.memory_space<vmem>>, vector<5120x32xf32>
      tpu.vector_store %arg5[%swap3A, %swap3A_119], %concatenate3A {strides = array<i32>} : memref<5120x128xf32, #tpu.memory_space<vmem>>, vector<5120x32xf32>,
      %broadcast_in_dim3A_121 = vector.shape_cast %add3A_118 : vector<1x32xf32> to vector<1x32xf32>
      %broadcast_in_dim3A_122 = vector.broadcast %broadcast_in_dim3A_121 : vector<1x32xf32> to vector<8x32xf32>
      %swap3A_123 = arith.constant 0 : index
      %swap3A_124 = arith.constant 0 : index
      %swap3A_125 = vector.load %arg6[%swap3A_123, %swap3A_124] : memref<8x32xf32, #tpu.memory_space<vmem>>, vector<8x32xf32>
      tpu.vector_store %arg6[%swap3A_123, %swap3A_124], %broadcast_in_dim3A_122 {strides = array<i32>} : memref<8x32xf32, #tpu.memory_space<vmem>>, vector<8x32xf32>,
    } else {
    }
    %eq3A_8 = arith.constant 125 : i32
    %eq3A_9 = arith.cmpi eq, %arg0, %eq3A_8 : i32
    %convert_element_type3A_10 = arith.extui %eq3A_9 : i1 to i32
    %cond3A_11 = arith.constant 0 : i32
    %cond3A_12 = arith.cmpi ne, %convert_element_type3A_10, %cond3A_11 : i32
    scf.if %cond3A_12 {
      %broadcast_in_dim3A = vector.shape_cast %get3A_3 : vector<1x32xf32> to vector<1x32xf32>
      %broadcast_in_dim3A_13 = vector.broadcast %broadcast_in_dim3A : vector<1x32xf32> to vector<5120x32xf32>
      %swap3A = arith.constant 0 : index
      %swap3A_14 = arith.constant 0 : index
      %swap3A_15 = vector.load %arg5[%swap3A, %swap3A_14] : memref<5120x128xf32, #tpu.memory_space<vmem>>, vector<5120x32xf32>
      tpu.vector_store %arg5[%swap3A, %swap3A_14], %broadcast_in_dim3A_13 {strides = array<i32>} : memref<5120x128xf32, #tpu.memory_space<vmem>>, vector<5120x32xf32>,
    } else {
    }
    return
  }
  func.func @transform_0(%arg0: i32) -> (i32, i32) {
    %min3A = arith.constant 124 : i32
    %min3A_0 = arith.minsi %arg0, %min3A : i32
    %c0_i32 = arith.constant 0 : i32
    %c0_i32_1 = arith.constant 0 : i32
    return %min3A_0, %c0_i32 : i32, i32
  }
  func.func @transform_1(%arg0: i32) -> (i32, i32) {
    %min3A = arith.constant 124 : i32
    %min3A_0 = arith.minsi %arg0, %min3A : i32
    %c0_i32 = arith.constant 0 : i32
    %c0_i32_1 = arith.constant 0 : i32
    return %min3A_0, %c0_i32 : i32, i32
  }
  func.func @transform_2(%arg0: i32) -> (i32, i32) {
    %c0_i32 = arith.constant 0 : i32
    %c0_i32_0 = arith.constant 0 : i32
    %c0_i32_1 = arith.constant 0 : i32
    return %c0_i32, %c0_i32_0 : i32, i32
  }
  func.func @transform_3(%arg0: i32) -> (i32, i32) {
    %c0_i32 = arith.constant 0 : i32
    %c0_i32_0 = arith.constant 0 : i32
    %c0_i32_1 = arith.constant 0 : i32
    return %c0_i32, %c0_i32_0 : i32, i32
  }
  func.func @transform_4(%arg0: i32) -> (i32, i32) {
    %c0_i32 = arith.constant 0 : i32
    %c0_i32_0 = arith.constant 0 : i32
    return %arg0, %c0_i32 : i32, i32
  }
}

</mosaic_0001>

<sc_bundles>
// kernel: kernel.4.cloned.1.call-start
scs
__scs_entry_jumppad:
0x0: {  	(pc) =	sbr.rel $0x88, $3  }
0x1: {  	(tag) =	ssettag $0x0;
	lr =	simm.s32 $0x1  }
0x2: {  	[smem:$0x3F9C] =	sst lr;
	_ =	strace $0xD0000000  }
0x3: {  	_ = 	snop  }
0x4: {  	_ = 	snop  }
0x5: {  	_ = 	snop  }
0x6: {  	_ = 	snop  }
0x7: {  	_ = 	snop  }
__scs_overlays_trampoline_lowered:
0x8: {  	[smem:$0x3FAB] =	sst s0  }
0x9: {  	[smem:$0x3FAC] =	sst s1  }
0xa: {  	[smem:$0x3FAD] =	sst s2  }
0xb: {  	[smem:$0x3FAE] =	sst s3  }
0xc: {  	[smem:$0x3FAF] =	sst s4  }
0xd: {  	[smem:$0x3FB0] =	sst s5  }
0xe: {  	[smem:$0x3FB1] =	sst s6  }
0xf: {  	[smem:$0x3FB2] =	sst s7  }
0x10: {  	[smem:$0x3FB3] =	sst s8  }
0x11: {  	[smem:$0x3FB4] =	sst s9;
	s0 =	simm.s32 @!p0 $0x0  }
0x12: {  	s1 =	sld [smem:$0x3F9A];
	s0 =	simm.s32 @p0 $0x1  }
0x13: {  	[smem:$0x3FB5] =	sst s0;
	s0 =	simm.s32 @!p1 $0x0  }
0x14: {  	s2 =	sld [smem:$0x3F99];
	s0 =	simm.s32 @p1 $0x1  }
0x15: {  	[smem:$0x3FB6] =	sst s0;
	s0 =	simm.s32 @!p2 $0x0  }
0x16: {  	s3 =	sld [smem:$0x3FDB];
	s0 =	simm.s32 @p2 $0x1  }
0x17: {  	s4 =	simm.s32 $0x1BF5;
	[smem:$0x3FB8] =	sst s0  }
0x18: {  	s0 =	sld [smem:$0x3F9B];
	_ =	swait.ge [sflag:s4], $0x0  }
0x19: {  	s7 =	sld [smem:$0x3F9C]  }
0x1a: {  	s8 =	sadd.s32 $0xFFFFE003, lr  }
0x1b: {  	s9 =	sadd.s32 $0xFFFFFEF7, lr;
	s5 =	simm.s32 $0xFFFFFFFF;
	p2 =	slt.u32 s8, $0xFFFFF086  }
0x1c: {  	p1 =	slt.u32 s9, $0xF7A;
	s5 =	simm.s32 @!p2 $0x0  }
0x1d: {  	s5 =	simm.s32 @p1 $0x1;
	p0 =	seq.s32 s7, s2  }
0x1e: {  	s7 =	smul.u32 @!p0 $0xF7A, s2;
	p2 =	seq.s32 @!p0 s5, $0x0  }
0x1f: {  	s9 =	smul.u32 $0xF7A, s1;
	s8 =	simm.s32 @!p0 $0x1BF5;
	p2 =	por !p2, p0  }
0x20: {  	[sflag:s8] =	ssyncset.s32 @!p0 $0xFFFFF086;
	s6 =	sadd.s32 @!p0 s3, s7;
	s7 =	simm.s32 @!p0 $0x108  }
0x21: {  	s3 =	sadd.s32 s3, s9;
	s6 =	sadd.s32 @!p0 $0x88, s6;
	s7 =	simm.s32 @p2 $0x1082  }
0x22: {  	[simem:s7], [sflag:s8] =	dma.local @!p0 [hbm:s6], $0xF7A  }
0x23: {  	s9 =	sor.u32 $0xD0000000, s2;
	s6 =	simm.s32 $0x108;
	_ =	swait.ge @!p0 [sflag:s8], $0x0  }
0x24: {  	s3 =	sadd.s32 $0x88, s3;
	s6 =	simm.s32 @!p1 $0x1082;
	[sflag:s4] =	ssyncset.s32 $0xFFFFF086  }
0x25: {  	[simem:s6], [sflag:s4] =	dma.local [hbm:s3], $0xF7A  }
0x26: {  	[smem:$0x3F9C] =	sst s1;
	(tag) =	ssettag s2;
	_ =	strace s9  }
0x27: {  	s1 =	sld [smem:$0x3FAC]  }
0x28: {  	s2 =	sld [smem:$0x3FAD]  }
0x29: {  	s4 =	sld [smem:$0x3FAF]  }
0x2a: {  	p0 =	seq.s32 s5, $0x0;
	s5 =	sld [smem:$0x3FB0]  }
0x2b: {  	s6 =	sld [smem:$0x3FB1]  }
0x2c: {  	s7 =	sld [smem:$0x3FB2]  }
0x2d: {  	s3 =	simm.s32 $0x108;
	s8 =	sld [smem:$0x3FB3]  }
0x2e: {  	s3 =	simm.s32 @!p0 $0x1082;
	s9 =	sld [smem:$0x3FB4]  }
0x2f: {  	lr =	sadd.s32 s0, s3;
	s0 =	sld [smem:$0x3FAB]  }
0x30: {  	s3 =	sld [smem:$0x3FAE]  }
0x31: {  	[smem:$0x3FB7] =	sst s10  }
0x32: {  	s10 =	sld [smem:$0x3FB5];
	_ =	sdelay $0x3  }
0x33: {  	p0 =	seq.s32 s10, $0x1;
	s10 =	sld [smem:$0x3FB7];
	_ =	sdelay $0x3  }
0x34: {  	[smem:$0x3FB7] =	sst s10  }
0x35: {  	s10 =	sld [smem:$0x3FB6];
	_ =	sdelay $0x3  }
0x36: {  	p1 =	seq.s32 s10, $0x1;
	s10 =	sld [smem:$0x3FB7];
	_ =	sdelay $0x3  }
0x37: {  	[smem:$0x3FB7] =	sst s10  }
0x38: {  	s10 =	sld [smem:$0x3FB8]  }
0x39: {  	_ = 	snop;
	(pc) =	sbr.ind lr, $3  }
0x3a: {  	_ = 	snop  }
0x3b: {  	_ = 	snop  }
0x3c: {  	p2 =	seq.s32 s10, $0x1;
	s10 =	sld [smem:$0x3FB7]  }
0x3d: {  	_ =	shalt  }
0x3e: {  	_ =	shalt  }
0x3f: {  	_ =	shalt  }
0x40: {  	_ =	shalt  }
0x41: {  	_ =	shalt  }
0x42: {  	_ =	shalt  }
0x43: {  	_ =	shalt  }
0x44: {  	_ =	shalt  }
0x45: {  	_ =	shalt  }
0x46: {  	_ =	shalt  }
0x47: {  	_ =	shalt  }
0x48: {  	_ =	shalt  }
0x49: {  	_ =	shalt  }
0x4a: {  	_ =	shalt  }
0x4b: {  	_ =	shalt  }
0x4c: {  	_ =	shalt  }
0x4d: {  	_ =	shalt  }
0x4e: {  	_ =	shalt  }
0x4f: {  	_ =	shalt  }
0x50: {  	_ =	shalt  }
0x51: {  	_ =	shalt  }
0x52: {  	_ =	shalt  }
0x53: {  	_ =	shalt  }
0x54: {  	_ =	shalt  }
0x55: {  	_ =	shalt  }
0x56: {  	_ =	shalt  }
0x57: {  	_ =	shalt  }
0x58: {  	_ =	shalt  }
0x59: {  	_ =	shalt  }
0x5a: {  	_ =	shalt  }
0x5b: {  	_ =	shalt  }
0x5c: {  	_ =	shalt  }
0x5d: {  	_ =	shalt  }
0x5e: {  	_ =	shalt  }
0x5f: {  	_ =	shalt  }
0x60: {  	_ =	shalt  }
0x61: {  	_ =	shalt  }
0x62: {  	_ =	shalt  }
0x63: {  	_ =	shalt  }
0x64: {  	_ =	shalt  }
0x65: {  	_ =	shalt  }
0x66: {  	_ =	shalt  }
0x67: {  	_ =	shalt  }
0x68: {  	_ =	shalt  }
0x69: {  	_ =	shalt  }
0x6a: {  	_ =	shalt  }
0x6b: {  	_ =	shalt  }
0x6c: {  	_ =	shalt  }
0x6d: {  	_ =	shalt  }
0x6e: {  	_ =	shalt  }
0x6f: {  	_ =	shalt  }
0x70: {  	_ =	shalt  }
0x71: {  	_ =	shalt  }
0x72: {  	_ =	shalt  }
0x73: {  	_ =	shalt  }
0x74: {  	_ =	shalt  }
0x75: {  	_ =	shalt  }
0x76: {  	_ =	shalt  }
0x77: {  	_ =	shalt  }
0x78: {  	_ =	shalt  }
0x79: {  	_ =	shalt  }
0x7a: {  	_ =	shalt  }
0x7b: {  	_ =	shalt  }
0x7c: {  	_ =	shalt  }
0x7d: {  	_ =	shalt  }
0x7e: {  	_ =	shalt  }
0x7f: {  	_ =	shalt  }
0x80: {  	_ =	shalt  }
0x81: {  	_ =	shalt  }
0x82: {  	_ =	shalt  }
0x83: {  	_ =	shalt  }
0x84: {  	_ =	shalt  }
0x85: {  	_ =	shalt  }
0x86: {  	_ =	shalt  }
0x87: {  	_ =	shalt  }
.Lfunc_end0:
.L_simem_size_0:
called_computation_lowered:
.L_overlay_start_0:
0x88: {  	s2 =	sld [smem:$0x3FD9]  }
0x89: {  	s3 =	sld [smem:$0x3FFE];
	_ =	sdelay $0x1  }
0x8a: {  	s1 =	srdreg.scid  }
0x8b: {  	s0 =	sand.u32 $0x1, s1  }
0x8c: {  	s17 =	sshll.u32 s0, $0xA;
	s2 =	sadd.s32 s3, s2  }
0x8d: {  	s2 =	sadd.s32 s2, s17  }
0x8e: {  	[smem:$0x3FC3] =	sst s2  }
0x8f: {  	_ = 	snop  }
0x90: {  	s2 =	sld [smem:$0x3FD0];
	(tm) =	ssettm $0x1  }
0x91: {  	s18 =	sld [smem:$0x3FFB];
	_ =	sdelay $0x3  }
0x92: {  	_ =	strace s18  }
0x93: {  	s3 =	sld [smem:$0x3FFC];
	_ =	sdelay $0x3  }
0x94: {  	_ =	strace s3  }
0x95: {  	s3 =	sld [smem:$0x3FFD];
	_ =	sdelay $0x3  }
0x96: {  	_ =	strace s3  }
0x97: {  	_ =	strace $0x8FFFFFFF  }
0x98: {  	s19 =	sld [smem:$0x3FDB];
	_ =	sdelay $0x1  }
0x99: {  	s4 =	simm.s32 $_scs_section_size  }
0x9a: {  	s5 =	simm.s32 $_size__tile_overlayer_lowered;
	s6 =	simm.s32 $_tile_overlayer_lowered  }
0x9b: {  	s22 =	simm.s32 $0x1BFF;
	s21 =	sshll.u32 s6, $0x1;
	s3 =	sadd.s32 s4, s19  }
0x9c: {  	s7 =	simm.s32 $0x0;
	s20 =	sshll.u32 s5, $0x1;
	s5 =	sadd.s32 s21, s3  }
0x9d: {  	[timem:s7], [sflag:s22] =	dma.local [hbm:s5], s20  }
0x9e: {  	_ =	swait.ge [sflag:s22], s20  }
0x9f: {  	s4 =	ssub.s32 $0x0, s20;
	[sflag:s22] =	ssyncset.done $0x0  }
0xa0: {  	[sflag:s22] =	ssyncadd.s32 s4;
	_ =	sdelay $0x1  }
0xa1: {  	s23 =	simm.s32 $0x1B8B  }
0xa2: {  	_ =	swait.ge [sflag:s23], $0x1  }
0xa3: {  	[sflag:s23] =	ssyncset.done $0x0  }
0xa4: {  	s25 =	simm.s32 $0x1B8E;
	s24 =	sld [smem:$0x3FFE];
	[sflag:s23] =	ssyncadd.s32 $0xFFFFFFFF  }
0xa5: {  	s26 =	simm.s32 $execute0_lowered;
	[smem:$0x3FD2] =	sst s25  }
0xa6: {  	s5 =	sshll.u32 s26, $0x1;
	_ =	strace $0x80000046;
	[dreg:$0x1] =	wrdreg $0xFFFFFFFF  }
0xa7: {  	s28 =	simm.s32 $_size_execute0_lowered;
	s3 =	sadd.s32 s3, s5;
	[dreg:$0x0] =	wrdreg $0x0  }
0xa8: {  	s5 =	sshll.u32 s28, $0x1;
	[dreg:$0x2] =	wrdreg s3  }
0xa9: {  	[dreg:$0x3] =	wrdreg s5  }
0xaa: {  	[dreg:$0x4] =	wrdreg $0xC0  }
0xab: {  	_ =	task [dreg:s7], $0x5FFFF  }
0xac: {  	[dreg:$0x1] =	wrdreg $0xFFFFFFFF  }
0xad: {  	[dreg:$0x0] =	wrdreg $0x60  }
0xae: {  	[dreg:$0x2] =	wrdreg s24  }
0xaf: {  	[dreg:$0x3] =	wrdreg s2  }
0xb0: {  	[dreg:$0x4] =	wrdreg $0x9  }
0xb1: {  	_ =	task.clear_ibuf [dreg:s7], $0x5FFFF;
	_ =	strace $0x90000046  }
0xb2: {  	s29 =	simm.s32 $0x9;
	_ =	strace $0x80000048  }
0xb3: {  	_ =	swait.ge [sflag:s29], $0x1  }
0xb4: {  	[sflag:s29] =	ssyncadd.s32 $0xFFFFFFFF  }
0xb5: {  	_ =	strace $0x90000048  }
0xb6: {  	_ =	sfence  }
0xb7: {  	s30 =	sld [smem:$0x0];
	_ =	sdelay $0x2  }
0xb8: {  	s31 =	sshll.u32 s1, $0xD;
	s1 =	sshrl.u32 s1, $0x2  }
0xb9: {  	s3 =	sand.u32 $0x4000, s31;
	s1 =	sadd.s32 s1, s30  }
0xba: {  	s0 =	sor.u32 s3, s0;
	s1 =	sshll.u32 s1, $0x11  }
0xbb: {  	s0 =	sor.u32 s1, s0  }
0xbc: {  	s0 =	sadd.s32 $0x8F2B, s0  }
0xbd: {  	[sflag:s0] =	ssyncadd.remote.s32 $0x1  }
0xbe: {  	_ =	sfence.sel $0xFFFF  }
0xbf: {  	[dreg:$0x0] =	wrdreg $0xFFFFFFFF;
	(pc) =	sbr.abs _section_cstart, $3  }
0xc0: {  	[dreg:$0x1] =	wrdreg $0xFFFFFFFF  }
0xc1: {  	_ =	task.clear_ibuf [dreg:s7], $0x2FFFF;
	_ =	strace $0x9FFFFFFF  }
0xc2: {  	(tm) =	ssettm $0x7FFFFFFF  }
0xc3: {  	_ =	shalt  }
tec
execute0_lowered:
.L_overlay_start_1:
0x0: {  	(tag) =	ssettag $0x1  }
0x1: {  	s1 =	srdreg.scid;
	s4 =	rddreg [dreg:$0x0]  }
0x2: {  	s0 =	stileid.u32;
	s5 =	rddreg [dreg:$0x1]  }
0x3: {  	s2 =	simm.s32 $0x0;
	s10 =	simm.s32 $0x3948;
	s11 =	simm.s32 $0x68  }
0x4: {  	s12 =	simm.s32 $0xE0;
	s13 =	simm.s32 $0x7148;
	s14 =	simm.s32 $0x1  }
0x5: {  	s15 =	simm.s32 $0xA548;
	s3 =	sand.u32 $0x1, s1;
	s31 =	sshll.u32 s0, $0x1  }
0x6: {  	s16 =	simm.s32 $0x0;
	s1 =	rddreg [dreg:$0x2];
	s6 =	sor.u32 s3, s31  }
0x7: {  	[smem:$0x7FF] =	sst s2;
	s8 =	ssub.s32 $0x2, s3;
	s7 =	smul.u32 $0x500, s6  }
0x8: {  	_ =	strace $0x80000047;
	s6 =	smul.u32 $0x28, s6;
	s9 =	sshrl.u32 s8, $0x1  }
0x9: {  	s3 =	sadd.s32 $0x9C4A00, s4;
	s8 =	ssub.s32 s8, s9;
	s9 =	simm.s32 $0x148  }
0xa: {  	s7 =	sadd.s32 s7, s4;
	s4 =	sadd.s32 s5, s6;
	s6 =	smax.u32 s8, $0x1  }
0xb: {  	s8 =	simm.s32 $0x70;
	s5 =	sadd.s32 $0xA00, s7;
	s7 =	simm.s32 $0x2  }
.LBB2_1:
0xc: {  	[tilespmem:s2], [sflag:$0x2] =	stream.linear.gather [hbm4b:s4+s2], $0x148, $0x38;
	[tilespmem:$0xCD48] =	vst v63  }
0xd: {  	_ =	swait.ge [sflag:s7], $0x148  }
0xe: {  	[sflag:s7] =	ssyncset.done $0x0  }
0xf: {  	[sflag:s7] =	ssyncadd.s32 $0xFFFFFEB8  }
0x10: {  	[tilespmem:s9], [sflag:$0x1] =	stream.indirect.gather [hbm4b:s3+s8], $0x80, s2, s8, $0xb8;
	[tilespmem:$0xCD48] =	vst v63  }
0x11: {  	_ = 	snop  }
0x12: {  	[tilespmem:s10], [sflag:$0x1] =	stream.indirect.gather [hbm4b:s3+s8], $0x80, s8, s8, $0xb8;
	[tilespmem:$0xCD48] =	vst v63  }
0x13: {  	_ = 	snop  }
0x14: {  	[tilespmem:s13], [sflag:$0x1] =	stream.indirect.gather [hbm4b:s3+s11], $0x80, s12, s11, $0xb8;
	[tilespmem:$0xCD48] =	vst v63  }
0x15: {  	_ =	swait.ge [sflag:s14], $0x3800  }
0x16: {  	[sflag:s14] =	ssyncset.done $0x0  }
0x17: {  	[sflag:s14] =	ssyncadd.s32 $0xFFFFC800  }
0x18: {  	_ =	swait.ge [sflag:s14], $0x3800  }
0x19: {  	[sflag:s14] =	ssyncset.done $0x0  }
0x1a: {  	[sflag:s14] =	ssyncadd.s32 $0xFFFFC800  }
0x1b: {  	_ =	swait.ge [sflag:s14], $0x3400  }
0x1c: {  	[sflag:s14] =	ssyncset.done $0x0  }
0x1d: {  	s17 =	simm.s32 $0x1D8;
	[sflag:s14] =	ssyncadd.s32 $0xFFFFCC00  }
0x1e: {  	v0 =	vld [tilespmem:s17+$0xFFFFFF70]  }
0x1f: {  	v1 =	vld [tilespmem:s17+$0xFFFFFFF0];
	_ =	sdelay $0x4  }
0x20: {  	v0 =	vsub.f32 v1, v0  }
0x21: {  	s19 =	simm.s32 $0x0  }
0x22: {  	[tilespmem:s19+$0xA548] =	vst v0  }
0x23: {  	v0 =	vld [tilespmem:s17+$0xFFFFFF80]  }
0x24: {  	v1 =	vld [tilespmem:s17+$0x0];
	_ =	sdelay $0x4  }
0x25: {  	s18 =	simm.s32 $0x80;
	v0 =	vsub.f32 v1, v0  }
.LBB2_2:
0x26: {  	p0 =	sne.s32 s18, $0x9F80  }
0x27: {  	s17 =	sadd.s32 $0x80, s17;
	s20 =	smov.u32 s18;
	s18 =	sadd.s32 $0x80, s18  }
0x28: {  	[tilespmem:s19+$0xA558] =	vst v0  }
0x29: {  	v0 =	vld [tilespmem:s17+$0xFFFFFF70]  }
0x2a: {  	v1 =	vld [tilespmem:s17+$0xFFFFFFF0];
	_ =	sdelay $0x4  }
0x2b: {  	v0 =	vsub.f32 v1, v0  }
0x2c: {  	s19 =	sshra.s32 s20, $0x2  }
0x2d: {  	[tilespmem:s19+$0xA548] =	vst v0  }
0x2e: {  	v0 =	vld [tilespmem:s17+$0xFFFFFF80]  }
0x2f: {  	v1 =	vld [tilespmem:s17+$0x0]  }
.Ltmp0:
0x30: {  	(pc) =	sbr.rel @p0 .LBB2_2-.Ltmp0, $2  }
0x31: {  	_ =	sdelay $0x2  }
0x32: {  	v0 =	vsub.f32 v1, v0  }
0x33: {  	s16 =	sadd.s32 $0x1, s16  }
0x34: {  	p0 =	sne.s32 s16, s6  }
.Ltmp1:
0x35: {  	[tilespmem:s19+$0xA558] =	vst v0;
	(pc) =	sbr.rel @p0 .LBB2_1-.Ltmp1, $4  }
0x36: {  	[hbm4b:s5+s2] =	stream.linear.scatter [tilespmem:s15], [sflag:$0x2], $0x2800, $0x38;
	[tilespmem:$0xCD48] =	vst v63  }
0x37: {  	_ =	swait.ge [sflag:s7], $0x2800  }
0x38: {  	[sflag:s7] =	ssyncset.done $0x0  }
0x39: {  	[sflag:s7] =	ssyncadd.s32 $0xFFFFD800  }
0x3a: {  	_ =	sfence.sel $0x180000  }
0x3b: {  	[bflag:$0x0] =	sbarrier.arrive $0xFFFF  }
0x3c: {  	p0 =	sne.s32 s0, $0x0;
	_ =	strace $0x90000047  }
0x3d: {  	s0 =	sadd.s32 @!p0 $0x100000, s1;
	[bflag:$0x2] =	sbarrier.arrive $0xFFFF  }
0x3e: {  	[sflag:s0] =	ssyncadd.tile.s32 @!p0 $0x1;
	_ =	shalt  }
.Lfunc_end2:
_tile_overlayer_lowered:
.L_overlay_start_2:
0x3f: {  	(tag) =	ssettag $0x2  }
0x40: {  	s0 =	rddreg [dreg:$0x0];
	s2 =	stileid.u32  }
0x41: {  	s1 =	rddreg [dreg:$0x1];
	p0 =	sne.s32 s2, $0x0  }
0x42: {  	s3 =	rddreg [dreg:$0x2];
	[bflag:$0x3] =	sbarrier.arrive $0xFFFF;
	s2 =	simm.s32 @!p0 $0x1C02  }
0x43: {  	[timem:s3], [sflag:s2] =	dma.local @!p0 [hbm:s0], s1  }
0x44: {  	s0 =	simm.s32 @!p0 $0x2  }
0x45: {  	_ =	swait.ge @!p0 [sflag:s0], s1  }
0x46: {  	s1 =	ssub.s32 @!p0 $0x0, s1;
	[sflag:s0] =	ssyncset.done @!p0 $0x0  }
0x47: {  	[sflag:s0] =	ssyncadd.s32 @!p0 s1  }
0x48: {  	[bflag:$0x3] =	sbarrier.arrive $0xFFFF  }
0x49: {  	_ =	shalt  }

</sc_bundles>
